<compile_context>
chip_gen: v7x
topology: tpu7x:2x2x1
jax: 0.10.2.dev20260603
libtpu: 0.0.44.dev20260713+nightly
codegen_flags: <defaults>
</compile_context>

<pallas_src>
import functools

import jax
import jax.numpy as jnp
from jax import lax
from jax.experimental import pallas as pl
from jax.experimental.pallas import tpu as pltpu
from jax.experimental.pallas import tpu_sc as plsc

B = 1024
N_CHANS = 64
WINDOW = 1000
N_OUT = 4
E = 16
FEAT = 512

WB = 40
NSTEP = WINDOW // WB


def _tc_body(xT_ref, Wbb_ref, bbb_ref, Wall_ref, allh_ref, acc_ref):
    i = pl.program_id(0)

    @pl.when(i == 0)
    def _():
        acc_ref[...] = jnp.zeros_like(acc_ref)

    acc_ref[...] += jnp.sum(xT_ref[...], axis=1)

    @pl.when(i == NSTEP - 1)
    def _():
        m = acc_ref[...] * (1.0 / WINDOW)
        dn = (((0,), (0,)), ((), ()))
        feats = jax.lax.dot_general(m, Wbb_ref[...], dn,
                                    preferred_element_type=jnp.float32)
        feats = jnp.maximum(feats + bbb_ref[...], 0.0)
        Wv = Wall_ref[...].reshape(E * N_OUT, FEAT)
        dn_t = (((1,), (1,)), ((), ()))
        allh = jax.lax.dot_general(feats, Wv, dn_t,
                                   preferred_element_type=jnp.float32)
        allh_ref[...] = jnp.concatenate(
            [allh, jnp.zeros_like(allh)], axis=1)


SC_STRIPE = 128


ROW = 2 * E * N_OUT


def _sc_route_body(allh_hbm, sid_hbm, bh_hbm, out_hbm, allh_v, sid_v, bh_v,
                   out_v, sem1, sem2, sem3, nc):
    wid = lax.axis_index("s") * nc + lax.axis_index("c")
    g = wid // N_OUT
    o = wid % N_OUT
    base = g * SC_STRIPE
    cp1 = pltpu.async_copy(allh_hbm.at[pl.ds(base * ROW, SC_STRIPE * ROW)],
                           allh_v, sem1)
    cp2 = pltpu.async_copy(sid_hbm.at[pl.ds(base, SC_STRIPE)], sid_v, sem2)
    cp3 = pltpu.async_copy(bh_hbm, bh_v, sem3)
    cp1.wait()
    cp2.wait()
    cp3.wait()
    lanes = jax.lax.iota(jnp.int32, 16)
    for h in range(SC_STRIPE // 16):
        sidvec = sid_v[pl.ds(h * 16, 16)]
        idx = (lanes + h * 16) * ROW + sidvec * N_OUT + o
        val = plsc.load_gather(allh_v, [idx])
        bias = plsc.load_gather(bh_v, [sidvec * N_OUT + o])
        out_v[pl.ds(h * 16, 16)] = val + bias
    pltpu.sync_copy(out_v,
                    out_hbm.at[pl.ds(g * (N_OUT * SC_STRIPE) + o * SC_STRIPE,
                                     SC_STRIPE)])


@jax.jit
def kernel(x, subject_ids, W_bb, b_bb, W_heads, b_heads):
    xT = jnp.transpose(x, (1, 2, 0))
    sid = subject_ids.astype(jnp.int32)
    W_v = W_heads.transpose(0, 2, 1)
    bh_flat = b_heads.reshape(E * N_OUT)
    bbb = b_bb.reshape(1, FEAT)

    allh = pl.pallas_call(
        _tc_body,
        grid=(NSTEP,),
        in_specs=[
            pl.BlockSpec((N_CHANS, WB, B), lambda i: (0, i, 0)),
            pl.BlockSpec((N_CHANS, FEAT), lambda i: (0, 0)),
            pl.BlockSpec((1, FEAT), lambda i: (0, 0)),
            pl.BlockSpec((E, N_OUT, FEAT), lambda i: (0, 0, 0)),
        ],
        out_specs=pl.BlockSpec((B, ROW), lambda i: (0, 0)),
        out_shape=jax.ShapeDtypeStruct((B, ROW), jnp.float32),
        scratch_shapes=[pltpu.VMEM((N_CHANS, B), jnp.float32)],
    )(xT, W_bb, bbb, W_v)
    allh_flat = allh.reshape(B * ROW)

    info = plsc.get_sparse_core_info()
    nc = info.num_cores
    mesh = plsc.VectorSubcoreMesh(core_axis_name="c", subcore_axis_name="s")
    sc_route = pl.kernel(
        functools.partial(_sc_route_body, nc=nc),
        mesh=mesh,
        compiler_params=pltpu.CompilerParams(use_tc_tiling_on_sc=False,
                                             needs_layout_passes=False),
        out_type=jax.ShapeDtypeStruct((N_OUT * B,), jnp.float32),
        scratch_types=[
            pltpu.VMEM((SC_STRIPE * ROW,), jnp.float32),
            pltpu.VMEM((SC_STRIPE,), jnp.int32),
            pltpu.VMEM((E * N_OUT,), jnp.float32),
            pltpu.VMEM((SC_STRIPE,), jnp.float32),
            pltpu.SemaphoreType.DMA,
            pltpu.SemaphoreType.DMA,
            pltpu.SemaphoreType.DMA,
        ],
    )
    out_flat = sc_route(allh_flat, sid, bh_flat)
    return (out_flat.reshape(B // SC_STRIPE, N_OUT, SC_STRIPE)
            .transpose(1, 0, 2).reshape(N_OUT, B).T)

# --- scband reference (transcript-rebuilt; emitter-appended) ---
"""Pipeline reference for scband-tlmodel-2070174236838 (READ-ONLY COPY).

The authoritative reference and input builder live on the scoring server;
editing this copy changes nothing except your own understanding.
"""

import jax, jax.numpy as jnp
import numpy as np

B = 1024
N_CHANS = 64
WINDOW = 1000
N_OUT = 4
E = 16
FEAT = 512


def setup_inputs(seed: int = 0) -> dict:
    key = jax.random.key(seed)
    k1, k2, k3, k4 = jax.random.split(key, 4)
    x = jax.random.normal(k1, (B, N_CHANS, WINDOW), dtype=jnp.float32)
    subject_ids = jax.random.randint(k2, (B,), 0, E)
    # shared backbone params (Deep4Net stand-in: temporal mean-pool + linear + relu)
    W_bb = jax.random.normal(k3, (N_CHANS, FEAT), dtype=jnp.float32) * 0.05
    b_bb = jnp.zeros((FEAT,), dtype=jnp.float32)
    # per-subject linear heads, stacked: heads['subj_i'] == (W_heads[i], b_heads[i])
    W_heads = jax.random.normal(k4, (E, FEAT, N_OUT), dtype=jnp.float32) * 0.05
    b_heads = jnp.zeros((E, N_OUT), dtype=jnp.float32)
    return {
        'x': x,
        'subject_ids': subject_ids,
        'W_bb': W_bb,
        'b_bb': b_bb,
        'W_heads': W_heads,
        'b_heads': b_heads,
    }


def reference(x, subject_ids, W_bb, b_bb, W_heads, b_heads):
    # shared backbone: features = mtl_net.shared_backbone(x)
    feats = jax.nn.relu(jnp.mean(x, axis=2) @ W_bb + b_bb)  # [B, FEAT]
    # per-subject head routing. The torch loop over unique subject ids
    # (gather rows with sid, apply head 'subj_{sid}', scatter back into outputs)
    # is mathematically identical to gathering each token's head weights and
    # applying them per-row.
    Wt = jnp.take(W_heads, subject_ids, axis=0)  # [B, FEAT, N_OUT]
    bt = jnp.take(b_heads, subject_ids, axis=0)  # [B, N_OUT]
    outputs = jnp.einsum('bd,bdo->bo', feats, Wt) + bt  # [B, N_OUT]
    return outputs

if __name__ == "__main__":
    import jax
    _d = setup_inputs()
    print(jax.jit(kernel)(*tuple(_d.values())))

</pallas_src>

<mosaic_0001>
#map = affine_map<(d0, d1) -> (0)>
module attributes {stable_mosaic.version = 14 : i64} {
  func.func @_sc_route_body(%arg0: i32, %arg1: i32, %arg2: memref<131072xf32, #tpu.memory_space<hbm>>, %arg3: memref<1024xi32, #tpu.memory_space<hbm>>, %arg4: memref<64xf32, #tpu.memory_space<hbm>>, %arg5: memref<4096xf32, #tpu.memory_space<hbm>>, %arg6: memref<16384xf32, #tpu.memory_space<vmem>>, %arg7: memref<128xi32, #tpu.memory_space<vmem>>, %arg8: memref<64xf32, #tpu.memory_space<vmem>>, %arg9: memref<128xf32, #tpu.memory_space<vmem>>, %arg10: memref<!tpu.dma_semaphore, #tpu.memory_space<semaphore_mem>>, %arg11: memref<!tpu.dma_semaphore, #tpu.memory_space<semaphore_mem>>, %arg12: memref<!tpu.dma_semaphore, #tpu.memory_space<semaphore_mem>>) attributes {dimension_semantics = [#tpu.dimension_semantics<core_parallel>, #tpu.dimension_semantics<subcore_parallel>], iteration_bounds = array<i64: 2, 16>, scalar_prefetch = 0 : i64, scratch_operands = 7 : i64, tpu.core_type = #tpu.core_type<sc_vector_subcore>, window_params = [{transform_indices = #map}, {transform_indices = #map}, {transform_indices = #map}, {transform_indices = #map}]} {
    %mul3A = arith.constant 2 : i32
    %mul3A_0 = arith.muli %arg1, %mul3A : i32
    %add3A = arith.addi %mul3A_0, %arg0 : i32
    %jit3A = arith.constant 4 : i32
    %div3A = arith.divsi %add3A, %jit3A : i32
    %sign3A = arith.constant 0 : i32
    %sign3A_1 = arith.cmpi sgt, %add3A, %sign3A : i32
    %sign3A_2 = arith.extui %sign3A_1 : i1 to i32
    %sign3A_3 = arith.constant 0 : i32
    %sign3A_4 = arith.cmpi slt, %add3A, %sign3A_3 : i32
    %sign3A_5 = arith.extui %sign3A_4 : i1 to i32
    %sign3A_6 = arith.subi %sign3A_2, %sign3A_5 : i32
    %sign3A_7 = arith.constant 0 : i32
    %sign3A_8 = arith.cmpi sgt, %jit3A, %sign3A_7 : i32
    %sign3A_9 = arith.extui %sign3A_8 : i1 to i32
    %sign3A_10 = arith.constant 0 : i32
    %sign3A_11 = arith.cmpi slt, %jit3A, %sign3A_10 : i32
    %sign3A_12 = arith.extui %sign3A_11 : i1 to i32
    %sign3A_13 = arith.subi %sign3A_9, %sign3A_12 : i32
    %ne3A = arith.cmpi ne, %sign3A_6, %sign3A_13 : i32
    %rem3A = arith.remsi %add3A, %jit3A : i32
    %ne3A_14 = arith.constant 0 : i32
    %ne3A_15 = arith.cmpi ne, %rem3A, %ne3A_14 : i32
    %and3A = arith.andi %ne3A, %ne3A_15 : i1
    %sub3A = arith.constant 1 : i32
    %sub3A_16 = arith.subi %div3A, %sub3A : i32
    %select_n3A = arith.select %and3A, %sub3A_16, %div3A : i32
    %jit3A_17 = arith.constant 4 : i32
    %eq3A = arith.constant 0 : i32
    %eq3A_18 = arith.cmpi eq, %jit3A_17, %eq3A : i32
    %jit3A_19 = arith.constant 1 : i32
    %select_n3A_20 = arith.select %eq3A_18, %jit3A_19, %jit3A_17 : i32
    %rem3A_21 = arith.remsi %add3A, %select_n3A_20 : i32
    %ne3A_22 = arith.constant 0 : i32
    %ne3A_23 = arith.cmpi ne, %rem3A_21, %ne3A_22 : i32
    %lt3A = arith.constant 0 : i32
    %lt3A_24 = arith.cmpi slt, %rem3A_21, %lt3A : i32
    %lt3A_25 = arith.constant 0 : i32
    %lt3A_26 = arith.cmpi slt, %select_n3A_20, %lt3A_25 : i32
    %ne3A_27 = arith.xori %lt3A_24, %lt3A_26 : i1
    %and3A_28 = arith.andi %ne3A_27, %ne3A_23 : i1
    %add3A_29 = arith.addi %rem3A_21, %select_n3A_20 : i32
    %select_n3A_30 = arith.select %and3A_28, %add3A_29, %rem3A_21 : i32
    %mul3A_31 = arith.constant 128 : i32
    %mul3A_32 = arith.muli %select_n3A, %mul3A_31 : i32
    %mul3A_33 = arith.constant 128 : i32
    %mul3A_34 = arith.muli %mul3A_32, %mul3A_33 : i32
    %dma_start3A = tpu.memref_slice %arg2[%mul3A_34] : memref<131072xf32, #tpu.memory_space<hbm>> -> memref<16384xf32, #tpu.memory_space<hbm>>
    %dma_start3A_35 = tpu.memref_slice %arg2[%mul3A_34] : memref<131072xf32, #tpu.memory_space<hbm>> -> memref<16384xf32, #tpu.memory_space<hbm>>
    tpu.enqueue_dma source(%dma_start3A_35 : memref<16384xf32, #tpu.memory_space<hbm>>) target(%arg6 : memref<16384xf32, #tpu.memory_space<vmem>>) target_semaphore(%arg10 : memref<!tpu.dma_semaphore, #tpu.memory_space<semaphore_mem>>)
    %dma_start3A_36 = tpu.memref_slice %arg3[%mul3A_32] : memref<1024xi32, #tpu.memory_space<hbm>> -> memref<128xi32, #tpu.memory_space<hbm>>
    %dma_start3A_37 = tpu.memref_slice %arg3[%mul3A_32] : memref<1024xi32, #tpu.memory_space<hbm>> -> memref<128xi32, #tpu.memory_space<hbm>>
    tpu.enqueue_dma source(%dma_start3A_37 : memref<128xi32, #tpu.memory_space<hbm>>) target(%arg7 : memref<128xi32, #tpu.memory_space<vmem>>) target_semaphore(%arg11 : memref<!tpu.dma_semaphore, #tpu.memory_space<semaphore_mem>>)
    tpu.enqueue_dma source(%arg4 : memref<64xf32, #tpu.memory_space<hbm>>) target(%arg8 : memref<64xf32, #tpu.memory_space<vmem>>) target_semaphore(%arg12 : memref<!tpu.dma_semaphore, #tpu.memory_space<semaphore_mem>>)
    %dma_wait3A = tpu.memref_slice %arg2[%mul3A_34] : memref<131072xf32, #tpu.memory_space<hbm>> -> memref<16384xf32, #tpu.memory_space<hbm>>
    %dma_wait3A_38 = tpu.memref_slice %arg2[%mul3A_34] : memref<131072xf32, #tpu.memory_space<hbm>> -> memref<16384xf32, #tpu.memory_space<hbm>>
    tpu.wait_dma2 semaphore(%arg10 : memref<!tpu.dma_semaphore, #tpu.memory_space<semaphore_mem>>) src(%dma_wait3A_38 : memref<16384xf32, #tpu.memory_space<hbm>>) dst(%arg6 : memref<16384xf32, #tpu.memory_space<vmem>>)
    %dma_wait3A_39 = tpu.memref_slice %arg3[%mul3A_32] : memref<1024xi32, #tpu.memory_space<hbm>> -> memref<128xi32, #tpu.memory_space<hbm>>
    %dma_wait3A_40 = tpu.memref_slice %arg3[%mul3A_32] : memref<1024xi32, #tpu.memory_space<hbm>> -> memref<128xi32, #tpu.memory_space<hbm>>
    tpu.wait_dma2 semaphore(%arg11 : memref<!tpu.dma_semaphore, #tpu.memory_space<semaphore_mem>>) src(%dma_wait3A_40 : memref<128xi32, #tpu.memory_space<hbm>>) dst(%arg7 : memref<128xi32, #tpu.memory_space<vmem>>)
    tpu.wait_dma2 semaphore(%arg12 : memref<!tpu.dma_semaphore, #tpu.memory_space<semaphore_mem>>) src(%arg4 : memref<64xf32, #tpu.memory_space<hbm>>) dst(%arg8 : memref<64xf32, #tpu.memory_space<vmem>>)
    %iota3A = tpu.iota {dimensions = array<i32: 0>} : vector<16xi32>
    %get3A = arith.constant 0 : index
    %get3A_41 = tpu.vector_load %arg7[%get3A] {strides = array<i32>} : memref<128xi32, #tpu.memory_space<vmem>>, vector<16xi32>,
    %add3A_42 = arith.constant 0 : i32
    %add3A_43 = vector.broadcast %add3A_42 : i32 to vector<16xi32>
    %add3A_44 = arith.addi %iota3A, %add3A_43 : vector<16xi32>
    %mul3A_45 = arith.constant 128 : i32
    %mul3A_46 = vector.broadcast %mul3A_45 : i32 to vector<16xi32>
    %mul3A_47 = arith.muli %add3A_44, %mul3A_46 : vector<16xi32>
    %mul3A_48 = arith.constant 4 : i32
    %mul3A_49 = vector.broadcast %mul3A_48 : i32 to vector<16xi32>
    %mul3A_50 = arith.muli %get3A_41, %mul3A_49 : vector<16xi32>
    %add3A_51 = arith.addi %mul3A_47, %mul3A_50 : vector<16xi32>
    %add3A_52 = vector.broadcast %select_n3A_30 : i32 to vector<16xi32>
    %add3A_53 = arith.addi %add3A_51, %add3A_52 : vector<16xi32>
    %gather3A = tpu.vector_load_idx %arg6[%add3A_53] : memref<16384xf32, #tpu.memory_space<vmem>>[vector<16xi32>], vector<16xf32>,
    %mul3A_54 = arith.constant 4 : i32
    %mul3A_55 = vector.broadcast %mul3A_54 : i32 to vector<16xi32>
    %mul3A_56 = arith.muli %get3A_41, %mul3A_55 : vector<16xi32>
    %add3A_57 = vector.broadcast %select_n3A_30 : i32 to vector<16xi32>
    %add3A_58 = arith.addi %mul3A_56, %add3A_57 : vector<16xi32>
    %gather3A_59 = tpu.vector_load_idx %arg8[%add3A_58] : memref<64xf32, #tpu.memory_space<vmem>>[vector<16xi32>], vector<16xf32>,
    %add3A_60 = arith.addf %gather3A, %gather3A_59 : vector<16xf32>
    %swap3A = arith.constant 0 : index
    %swap3A_61 = tpu.vector_load %arg9[%swap3A] {strides = array<i32>} : memref<128xf32, #tpu.memory_space<vmem>>, vector<16xf32>,
    tpu.vector_store %arg9[%swap3A], %add3A_60 {strides = array<i32>} : memref<128xf32, #tpu.memory_space<vmem>>, vector<16xf32>,
    %get3A_62 = arith.constant 16 : index
    %get3A_63 = tpu.vector_load %arg7[%get3A_62] {strides = array<i32>} : memref<128xi32, #tpu.memory_space<vmem>>, vector<16xi32>,
    %add3A_64 = arith.constant 16 : i32
    %add3A_65 = vector.broadcast %add3A_64 : i32 to vector<16xi32>
    %add3A_66 = arith.addi %iota3A, %add3A_65 : vector<16xi32>
    %mul3A_67 = arith.constant 128 : i32
    %mul3A_68 = vector.broadcast %mul3A_67 : i32 to vector<16xi32>
    %mul3A_69 = arith.muli %add3A_66, %mul3A_68 : vector<16xi32>
    %mul3A_70 = arith.constant 4 : i32
    %mul3A_71 = vector.broadcast %mul3A_70 : i32 to vector<16xi32>
    %mul3A_72 = arith.muli %get3A_63, %mul3A_71 : vector<16xi32>
    %add3A_73 = arith.addi %mul3A_69, %mul3A_72 : vector<16xi32>
    %add3A_74 = vector.broadcast %select_n3A_30 : i32 to vector<16xi32>
    %add3A_75 = arith.addi %add3A_73, %add3A_74 : vector<16xi32>
    %gather3A_76 = tpu.vector_load_idx %arg6[%add3A_75] : memref<16384xf32, #tpu.memory_space<vmem>>[vector<16xi32>], vector<16xf32>,
    %mul3A_77 = arith.constant 4 : i32
    %mul3A_78 = vector.broadcast %mul3A_77 : i32 to vector<16xi32>
    %mul3A_79 = arith.muli %get3A_63, %mul3A_78 : vector<16xi32>
    %add3A_80 = vector.broadcast %select_n3A_30 : i32 to vector<16xi32>
    %add3A_81 = arith.addi %mul3A_79, %add3A_80 : vector<16xi32>
    %gather3A_82 = tpu.vector_load_idx %arg8[%add3A_81] : memref<64xf32, #tpu.memory_space<vmem>>[vector<16xi32>], vector<16xf32>,
    %add3A_83 = arith.addf %gather3A_76, %gather3A_82 : vector<16xf32>
    %swap3A_84 = arith.constant 16 : index
    %swap3A_85 = tpu.vector_load %arg9[%swap3A_84] {strides = array<i32>} : memref<128xf32, #tpu.memory_space<vmem>>, vector<16xf32>,
    tpu.vector_store %arg9[%swap3A_84], %add3A_83 {strides = array<i32>} : memref<128xf32, #tpu.memory_space<vmem>>, vector<16xf32>,
    %get3A_86 = arith.constant 32 : index
    %get3A_87 = tpu.vector_load %arg7[%get3A_86] {strides = array<i32>} : memref<128xi32, #tpu.memory_space<vmem>>, vector<16xi32>,
    %add3A_88 = arith.constant 32 : i32
    %add3A_89 = vector.broadcast %add3A_88 : i32 to vector<16xi32>
    %add3A_90 = arith.addi %iota3A, %add3A_89 : vector<16xi32>
    %mul3A_91 = arith.constant 128 : i32
    %mul3A_92 = vector.broadcast %mul3A_91 : i32 to vector<16xi32>
    %mul3A_93 = arith.muli %add3A_90, %mul3A_92 : vector<16xi32>
    %mul3A_94 = arith.constant 4 : i32
    %mul3A_95 = vector.broadcast %mul3A_94 : i32 to vector<16xi32>
    %mul3A_96 = arith.muli %get3A_87, %mul3A_95 : vector<16xi32>
    %add3A_97 = arith.addi %mul3A_93, %mul3A_96 : vector<16xi32>
    %add3A_98 = vector.broadcast %select_n3A_30 : i32 to vector<16xi32>
    %add3A_99 = arith.addi %add3A_97, %add3A_98 : vector<16xi32>
    %gather3A_100 = tpu.vector_load_idx %arg6[%add3A_99] : memref<16384xf32, #tpu.memory_space<vmem>>[vector<16xi32>], vector<16xf32>,
    %mul3A_101 = arith.constant 4 : i32
    %mul3A_102 = vector.broadcast %mul3A_101 : i32 to vector<16xi32>
    %mul3A_103 = arith.muli %get3A_87, %mul3A_102 : vector<16xi32>
    %add3A_104 = vector.broadcast %select_n3A_30 : i32 to vector<16xi32>
    %add3A_105 = arith.addi %mul3A_103, %add3A_104 : vector<16xi32>
    %gather3A_106 = tpu.vector_load_idx %arg8[%add3A_105] : memref<64xf32, #tpu.memory_space<vmem>>[vector<16xi32>], vector<16xf32>,
    %add3A_107 = arith.addf %gather3A_100, %gather3A_106 : vector<16xf32>
    %swap3A_108 = arith.constant 32 : index
    %swap3A_109 = tpu.vector_load %arg9[%swap3A_108] {strides = array<i32>} : memref<128xf32, #tpu.memory_space<vmem>>, vector<16xf32>,
    tpu.vector_store %arg9[%swap3A_108], %add3A_107 {strides = array<i32>} : memref<128xf32, #tpu.memory_space<vmem>>, vector<16xf32>,
    %get3A_110 = arith.constant 48 : index
    %get3A_111 = tpu.vector_load %arg7[%get3A_110] {strides = array<i32>} : memref<128xi32, #tpu.memory_space<vmem>>, vector<16xi32>,
    %add3A_112 = arith.constant 48 : i32
    %add3A_113 = vector.broadcast %add3A_112 : i32 to vector<16xi32>
    %add3A_114 = arith.addi %iota3A, %add3A_113 : vector<16xi32>
    %mul3A_115 = arith.constant 128 : i32
    %mul3A_116 = vector.broadcast %mul3A_115 : i32 to vector<16xi32>
    %mul3A_117 = arith.muli %add3A_114, %mul3A_116 : vector<16xi32>
    %mul3A_118 = arith.constant 4 : i32
    %mul3A_119 = vector.broadcast %mul3A_118 : i32 to vector<16xi32>
    %mul3A_120 = arith.muli %get3A_111, %mul3A_119 : vector<16xi32>
    %add3A_121 = arith.addi %mul3A_117, %mul3A_120 : vector<16xi32>
    %add3A_122 = vector.broadcast %select_n3A_30 : i32 to vector<16xi32>
    %add3A_123 = arith.addi %add3A_121, %add3A_122 : vector<16xi32>
    %gather3A_124 = tpu.vector_load_idx %arg6[%add3A_123] : memref<16384xf32, #tpu.memory_space<vmem>>[vector<16xi32>], vector<16xf32>,
    %mul3A_125 = arith.constant 4 : i32
    %mul3A_126 = vector.broadcast %mul3A_125 : i32 to vector<16xi32>
    %mul3A_127 = arith.muli %get3A_111, %mul3A_126 : vector<16xi32>
    %add3A_128 = vector.broadcast %select_n3A_30 : i32 to vector<16xi32>
    %add3A_129 = arith.addi %mul3A_127, %add3A_128 : vector<16xi32>
    %gather3A_130 = tpu.vector_load_idx %arg8[%add3A_129] : memref<64xf32, #tpu.memory_space<vmem>>[vector<16xi32>], vector<16xf32>,
    %add3A_131 = arith.addf %gather3A_124, %gather3A_130 : vector<16xf32>
    %swap3A_132 = arith.constant 48 : index
    %swap3A_133 = tpu.vector_load %arg9[%swap3A_132] {strides = array<i32>} : memref<128xf32, #tpu.memory_space<vmem>>, vector<16xf32>,
    tpu.vector_store %arg9[%swap3A_132], %add3A_131 {strides = array<i32>} : memref<128xf32, #tpu.memory_space<vmem>>, vector<16xf32>,
    %get3A_134 = arith.constant 64 : index
    %get3A_135 = tpu.vector_load %arg7[%get3A_134] {strides = array<i32>} : memref<128xi32, #tpu.memory_space<vmem>>, vector<16xi32>,
    %add3A_136 = arith.constant 64 : i32
    %add3A_137 = vector.broadcast %add3A_136 : i32 to vector<16xi32>
    %add3A_138 = arith.addi %iota3A, %add3A_137 : vector<16xi32>
    %mul3A_139 = arith.constant 128 : i32
    %mul3A_140 = vector.broadcast %mul3A_139 : i32 to vector<16xi32>
    %mul3A_141 = arith.muli %add3A_138, %mul3A_140 : vector<16xi32>
    %mul3A_142 = arith.constant 4 : i32
    %mul3A_143 = vector.broadcast %mul3A_142 : i32 to vector<16xi32>
    %mul3A_144 = arith.muli %get3A_135, %mul3A_143 : vector<16xi32>
    %add3A_145 = arith.addi %mul3A_141, %mul3A_144 : vector<16xi32>
    %add3A_146 = vector.broadcast %select_n3A_30 : i32 to vector<16xi32>
    %add3A_147 = arith.addi %add3A_145, %add3A_146 : vector<16xi32>
    %gather3A_148 = tpu.vector_load_idx %arg6[%add3A_147] : memref<16384xf32, #tpu.memory_space<vmem>>[vector<16xi32>], vector<16xf32>,
    %mul3A_149 = arith.constant 4 : i32
    %mul3A_150 = vector.broadcast %mul3A_149 : i32 to vector<16xi32>
    %mul3A_151 = arith.muli %get3A_135, %mul3A_150 : vector<16xi32>
    %add3A_152 = vector.broadcast %select_n3A_30 : i32 to vector<16xi32>
    %add3A_153 = arith.addi %mul3A_151, %add3A_152 : vector<16xi32>
    %gather3A_154 = tpu.vector_load_idx %arg8[%add3A_153] : memref<64xf32, #tpu.memory_space<vmem>>[vector<16xi32>], vector<16xf32>,
    %add3A_155 = arith.addf %gather3A_148, %gather3A_154 : vector<16xf32>
    %swap3A_156 = arith.constant 64 : index
    %swap3A_157 = tpu.vector_load %arg9[%swap3A_156] {strides = array<i32>} : memref<128xf32, #tpu.memory_space<vmem>>, vector<16xf32>,
    tpu.vector_store %arg9[%swap3A_156], %add3A_155 {strides = array<i32>} : memref<128xf32, #tpu.memory_space<vmem>>, vector<16xf32>,
    %get3A_158 = arith.constant 80 : index
    %get3A_159 = tpu.vector_load %arg7[%get3A_158] {strides = array<i32>} : memref<128xi32, #tpu.memory_space<vmem>>, vector<16xi32>,
    %add3A_160 = arith.constant 80 : i32
    %add3A_161 = vector.broadcast %add3A_160 : i32 to vector<16xi32>
    %add3A_162 = arith.addi %iota3A, %add3A_161 : vector<16xi32>
    %mul3A_163 = arith.constant 128 : i32
    %mul3A_164 = vector.broadcast %mul3A_163 : i32 to vector<16xi32>
    %mul3A_165 = arith.muli %add3A_162, %mul3A_164 : vector<16xi32>
    %mul3A_166 = arith.constant 4 : i32
    %mul3A_167 = vector.broadcast %mul3A_166 : i32 to vector<16xi32>
    %mul3A_168 = arith.muli %get3A_159, %mul3A_167 : vector<16xi32>
    %add3A_169 = arith.addi %mul3A_165, %mul3A_168 : vector<16xi32>
    %add3A_170 = vector.broadcast %select_n3A_30 : i32 to vector<16xi32>
    %add3A_171 = arith.addi %add3A_169, %add3A_170 : vector<16xi32>
    %gather3A_172 = tpu.vector_load_idx %arg6[%add3A_171] : memref<16384xf32, #tpu.memory_space<vmem>>[vector<16xi32>], vector<16xf32>,
    %mul3A_173 = arith.constant 4 : i32
    %mul3A_174 = vector.broadcast %mul3A_173 : i32 to vector<16xi32>
    %mul3A_175 = arith.muli %get3A_159, %mul3A_174 : vector<16xi32>
    %add3A_176 = vector.broadcast %select_n3A_30 : i32 to vector<16xi32>
    %add3A_177 = arith.addi %mul3A_175, %add3A_176 : vector<16xi32>
    %gather3A_178 = tpu.vector_load_idx %arg8[%add3A_177] : memref<64xf32, #tpu.memory_space<vmem>>[vector<16xi32>], vector<16xf32>,
    %add3A_179 = arith.addf %gather3A_172, %gather3A_178 : vector<16xf32>
    %swap3A_180 = arith.constant 80 : index
    %swap3A_181 = tpu.vector_load %arg9[%swap3A_180] {strides = array<i32>} : memref<128xf32, #tpu.memory_space<vmem>>, vector<16xf32>,
    tpu.vector_store %arg9[%swap3A_180], %add3A_179 {strides = array<i32>} : memref<128xf32, #tpu.memory_space<vmem>>, vector<16xf32>,
    %get3A_182 = arith.constant 96 : index
    %get3A_183 = tpu.vector_load %arg7[%get3A_182] {strides = array<i32>} : memref<128xi32, #tpu.memory_space<vmem>>, vector<16xi32>,
    %add3A_184 = arith.constant 96 : i32
    %add3A_185 = vector.broadcast %add3A_184 : i32 to vector<16xi32>
    %add3A_186 = arith.addi %iota3A, %add3A_185 : vector<16xi32>
    %mul3A_187 = arith.constant 128 : i32
    %mul3A_188 = vector.broadcast %mul3A_187 : i32 to vector<16xi32>
    %mul3A_189 = arith.muli %add3A_186, %mul3A_188 : vector<16xi32>
    %mul3A_190 = arith.constant 4 : i32
    %mul3A_191 = vector.broadcast %mul3A_190 : i32 to vector<16xi32>
    %mul3A_192 = arith.muli %get3A_183, %mul3A_191 : vector<16xi32>
    %add3A_193 = arith.addi %mul3A_189, %mul3A_192 : vector<16xi32>
    %add3A_194 = vector.broadcast %select_n3A_30 : i32 to vector<16xi32>
    %add3A_195 = arith.addi %add3A_193, %add3A_194 : vector<16xi32>
    %gather3A_196 = tpu.vector_load_idx %arg6[%add3A_195] : memref<16384xf32, #tpu.memory_space<vmem>>[vector<16xi32>], vector<16xf32>,
    %mul3A_197 = arith.constant 4 : i32
    %mul3A_198 = vector.broadcast %mul3A_197 : i32 to vector<16xi32>
    %mul3A_199 = arith.muli %get3A_183, %mul3A_198 : vector<16xi32>
    %add3A_200 = vector.broadcast %select_n3A_30 : i32 to vector<16xi32>
    %add3A_201 = arith.addi %mul3A_199, %add3A_200 : vector<16xi32>
    %gather3A_202 = tpu.vector_load_idx %arg8[%add3A_201] : memref<64xf32, #tpu.memory_space<vmem>>[vector<16xi32>], vector<16xf32>,
    %add3A_203 = arith.addf %gather3A_196, %gather3A_202 : vector<16xf32>
    %swap3A_204 = arith.constant 96 : index
    %swap3A_205 = tpu.vector_load %arg9[%swap3A_204] {strides = array<i32>} : memref<128xf32, #tpu.memory_space<vmem>>, vector<16xf32>,
    tpu.vector_store %arg9[%swap3A_204], %add3A_203 {strides = array<i32>} : memref<128xf32, #tpu.memory_space<vmem>>, vector<16xf32>,
    %get3A_206 = arith.constant 112 : index
    %get3A_207 = tpu.vector_load %arg7[%get3A_206] {strides = array<i32>} : memref<128xi32, #tpu.memory_space<vmem>>, vector<16xi32>,
    %add3A_208 = arith.constant 112 : i32
    %add3A_209 = vector.broadcast %add3A_208 : i32 to vector<16xi32>
    %add3A_210 = arith.addi %iota3A, %add3A_209 : vector<16xi32>
    %mul3A_211 = arith.constant 128 : i32
    %mul3A_212 = vector.broadcast %mul3A_211 : i32 to vector<16xi32>
    %mul3A_213 = arith.muli %add3A_210, %mul3A_212 : vector<16xi32>
    %mul3A_214 = arith.constant 4 : i32
    %mul3A_215 = vector.broadcast %mul3A_214 : i32 to vector<16xi32>
    %mul3A_216 = arith.muli %get3A_207, %mul3A_215 : vector<16xi32>
    %add3A_217 = arith.addi %mul3A_213, %mul3A_216 : vector<16xi32>
    %add3A_218 = vector.broadcast %select_n3A_30 : i32 to vector<16xi32>
    %add3A_219 = arith.addi %add3A_217, %add3A_218 : vector<16xi32>
    %gather3A_220 = tpu.vector_load_idx %arg6[%add3A_219] : memref<16384xf32, #tpu.memory_space<vmem>>[vector<16xi32>], vector<16xf32>,
    %mul3A_221 = arith.constant 4 : i32
    %mul3A_222 = vector.broadcast %mul3A_221 : i32 to vector<16xi32>
    %mul3A_223 = arith.muli %get3A_207, %mul3A_222 : vector<16xi32>
    %add3A_224 = vector.broadcast %select_n3A_30 : i32 to vector<16xi32>
    %add3A_225 = arith.addi %mul3A_223, %add3A_224 : vector<16xi32>
    %gather3A_226 = tpu.vector_load_idx %arg8[%add3A_225] : memref<64xf32, #tpu.memory_space<vmem>>[vector<16xi32>], vector<16xf32>,
    %add3A_227 = arith.addf %gather3A_220, %gather3A_226 : vector<16xf32>
    %swap3A_228 = arith.constant 112 : index
    %swap3A_229 = tpu.vector_load %arg9[%swap3A_228] {strides = array<i32>} : memref<128xf32, #tpu.memory_space<vmem>>, vector<16xf32>,
    tpu.vector_store %arg9[%swap3A_228], %add3A_227 {strides = array<i32>} : memref<128xf32, #tpu.memory_space<vmem>>, vector<16xf32>,
    %mul3A_230 = arith.constant 512 : i32
    %mul3A_231 = arith.muli %select_n3A, %mul3A_230 : i32
    %mul3A_232 = arith.constant 128 : i32
    %mul3A_233 = arith.muli %select_n3A_30, %mul3A_232 : i32
    %add3A_234 = arith.addi %mul3A_231, %mul3A_233 : i32
    "tpu.region"() ({
      %run_scoped3A = tpu.sem_alloc : memref<!tpu.dma_semaphore, #tpu.memory_space<semaphore_mem>>
      %dma_start3A_235 = tpu.memref_slice %arg5[%add3A_234] : memref<4096xf32, #tpu.memory_space<hbm>> -> memref<128xf32, #tpu.memory_space<hbm>>
      %dma_start3A_236 = tpu.memref_slice %arg5[%add3A_234] : memref<4096xf32, #tpu.memory_space<hbm>> -> memref<128xf32, #tpu.memory_space<hbm>>
      tpu.enqueue_dma source(%arg9 : memref<128xf32, #tpu.memory_space<vmem>>) target(%dma_start3A_236 : memref<128xf32, #tpu.memory_space<hbm>>) target_semaphore(%run_scoped3A : memref<!tpu.dma_semaphore, #tpu.memory_space<semaphore_mem>>)
      %dma_wait3A_237 = tpu.memref_slice %arg5[%add3A_234] : memref<4096xf32, #tpu.memory_space<hbm>> -> memref<128xf32, #tpu.memory_space<hbm>>
      %dma_wait3A_238 = tpu.memref_slice %arg5[%add3A_234] : memref<4096xf32, #tpu.memory_space<hbm>> -> memref<128xf32, #tpu.memory_space<hbm>>
      tpu.wait_dma2 semaphore(%run_scoped3A : memref<!tpu.dma_semaphore, #tpu.memory_space<semaphore_mem>>) src(%arg9 : memref<128xf32, #tpu.memory_space<vmem>>) dst(%dma_wait3A_238 : memref<128xf32, #tpu.memory_space<hbm>>)
      tpu.yield
    }) : () -> ()
    return
  }
}

module attributes {stable_mosaic.version = 14 : i64} {
  func.func @_tc_body(%arg0: i32, %arg1: memref<64x40x1024xf32, #tpu.memory_space<vmem>>, %arg2: memref<64x512xf32, #tpu.memory_space<vmem>>, %arg3: memref<1x512xf32, #tpu.memory_space<vmem>>, %arg4: memref<16x4x512xf32, #tpu.memory_space<vmem>>, %arg5: memref<1024x128xf32, #tpu.memory_space<vmem>>, %arg6: memref<64x1024xf32, #tpu.memory_space<vmem>>) attributes {dimension_semantics = [#tpu.dimension_semantics<arbitrary>], iteration_bounds = array<i64: 25>, scalar_prefetch = 0 : i64, scratch_operands = 1 : i64, tpu.core_type = #tpu.core_type<tc>, window_params = [{transform_indices = @transform_0, window_bounds = array<i64: 64, 40, 1024>}, {pipeline_mode = #tpu.pipeline_mode<synchronous>, transform_indices = @transform_1, window_bounds = array<i64: 64, 512>}, {pipeline_mode = #tpu.pipeline_mode<synchronous>, transform_indices = @transform_2, window_bounds = array<i64: 1, 512>}, {pipeline_mode = #tpu.pipeline_mode<synchronous>, transform_indices = @transform_3, window_bounds = array<i64: 16, 4, 512>}, {pipeline_mode = #tpu.pipeline_mode<synchronous>, transform_indices = @transform_4, window_bounds = array<i64: 1024, 128>}]} {
    %eq3A = arith.constant 0 : i32
    %eq3A_0 = arith.cmpi eq, %arg0, %eq3A : i32
    %convert_element_type3A = arith.extui %eq3A_0 : i1 to i32
    %cond3A = arith.constant 0 : i32
    %cond3A_1 = arith.cmpi ne, %convert_element_type3A, %cond3A : i32
    scf.if %cond3A_1 {
      %broadcast_in_dim3A = arith.constant 0.000000e+00 : f32
      %broadcast_in_dim3A_16 = vector.broadcast %broadcast_in_dim3A : f32 to vector<64x1024xf32>
      %swap3A_17 = arith.constant 0 : index
      %swap3A_18 = arith.constant 0 : index
      %swap3A_19 = vector.load %arg6[%swap3A_17, %swap3A_18] : memref<64x1024xf32, #tpu.memory_space<vmem>>, vector<64x1024xf32>
      tpu.vector_store %arg6[%swap3A_17, %swap3A_18], %broadcast_in_dim3A_16 {strides = array<i32>} : memref<64x1024xf32, #tpu.memory_space<vmem>>, vector<64x1024xf32>,
    } else {
    }
    %get3A = arith.constant 0 : index
    %get3A_2 = arith.constant 0 : index
    %get3A_3 = vector.load %arg6[%get3A, %get3A_2] : memref<64x1024xf32, #tpu.memory_space<vmem>>, vector<64x1024xf32>
    %get3A_4 = arith.constant 0 : index
    %get3A_5 = arith.constant 0 : index
    %get3A_6 = arith.constant 0 : index
    %get3A_7 = vector.load %arg1[%get3A_4, %get3A_5, %get3A_6] : memref<64x40x1024xf32, #tpu.memory_space<vmem>>, vector<64x40x1024xf32>
    %reduce_sum3A = arith.constant dense<0.000000e+00> : vector<64x1024xf32>
    %reduce_sum3A_8 = vector.multi_reduction <add>, %get3A_7, %reduce_sum3A [1] : vector<64x40x1024xf32> to vector<64x1024xf32>
    %add3A = arith.addf %get3A_3, %reduce_sum3A_8 : vector<64x1024xf32>
    %swap3A = arith.constant 0 : index
    %swap3A_9 = arith.constant 0 : index
    %swap3A_10 = vector.load %arg6[%swap3A, %swap3A_9] : memref<64x1024xf32, #tpu.memory_space<vmem>>, vector<64x1024xf32>
    tpu.vector_store %arg6[%swap3A, %swap3A_9], %add3A {strides = array<i32>} : memref<64x1024xf32, #tpu.memory_space<vmem>>, vector<64x1024xf32>,
    %eq3A_11 = arith.constant 24 : i32
    %eq3A_12 = arith.cmpi eq, %arg0, %eq3A_11 : i32
    %convert_element_type3A_13 = arith.extui %eq3A_12 : i1 to i32
    %cond3A_14 = arith.constant 0 : i32
    %cond3A_15 = arith.cmpi ne, %convert_element_type3A_13, %cond3A_14 : i32
    scf.if %cond3A_15 {
      %get3A_16 = arith.constant 0 : index
      %get3A_17 = arith.constant 0 : index
      %get3A_18 = vector.load %arg6[%get3A_16, %get3A_17] : memref<64x1024xf32, #tpu.memory_space<vmem>>, vector<64x1024xf32>
      %mul3A = arith.constant 1.000000e-03 : f32
      %mul3A_19 = vector.broadcast %mul3A : f32 to vector<64x1024xf32>
      %mul3A_20 = arith.mulf %get3A_18, %mul3A_19 : vector<64x1024xf32>
      %get3A_21 = arith.constant 0 : index
      %get3A_22 = arith.constant 0 : index
      %get3A_23 = vector.load %arg2[%get3A_21, %get3A_22] : memref<64x512xf32, #tpu.memory_space<vmem>>, vector<64x512xf32>
      %dot_general3A = arith.constant dense<0.000000e+00> : vector<1024x512xf32>
      %dot_general3A_24 = tpu.matmul %mul3A_20, %get3A_23, %dot_general3A {dimension_numbers = #tpu.dot_dimension_numbers<[0], [0], [1], [1], [0, 1, 1, 1], [], []>, transpose_lhs_hint = false} : vector<64x1024xf32>, vector<64x512xf32>, vector<1024x512xf32> -> vector<1024x512xf32>
      %get3A_25 = arith.constant 0 : index
      %get3A_26 = arith.constant 0 : index
      %get3A_27 = vector.load %arg3[%get3A_25, %get3A_26] : memref<1x512xf32, #tpu.memory_space<vmem>>, vector<1x512xf32>
      %add3A_28 = vector.broadcast %get3A_27 : vector<1x512xf32> to vector<1024x512xf32>
      %add3A_29 = arith.addf %dot_general3A_24, %add3A_28 : vector<1024x512xf32>
      %max3A = arith.constant 0.000000e+00 : f32
      %max3A_30 = vector.broadcast %max3A : f32 to vector<1024x512xf32>
      %max3A_31 = arith.maximumf %add3A_29, %max3A_30 : vector<1024x512xf32>
      %get3A_32 = arith.constant 0 : index
      %get3A_33 = arith.constant 0 : index
      %get3A_34 = arith.constant 0 : index
      %get3A_35 = vector.load %arg4[%get3A_32, %get3A_33, %get3A_34] : memref<16x4x512xf32, #tpu.memory_space<vmem>>, vector<16x4x512xf32>
      %reshape3A = vector.shape_cast %get3A_35 : vector<16x4x512xf32> to vector<64x512xf32>
      %dot_general3A_36 = arith.constant dense<0.000000e+00> : vector<1024x64xf32>
      %dot_general3A_37 = tpu.matmul %max3A_31, %reshape3A, %dot_general3A_36 {dimension_numbers = #tpu.dot_dimension_numbers<[1], [1], [0], [0], [0, 0, 1, 0], [], []>, transpose_lhs_hint = false} : vector<1024x512xf32>, vector<64x512xf32>, vector<1024x64xf32> -> vector<1024x64xf32>
      %broadcast_in_dim3A = arith.constant 0.000000e+00 : f32
      %broadcast_in_dim3A_38 = vector.broadcast %broadcast_in_dim3A : f32 to vector<1024x64xf32>
      %concatenate3A = tpu.concatenate %dot_general3A_37, %broadcast_in_dim3A_38 in 1 : vector<1024x64xf32>, vector<1024x64xf32> -> vector<1024x128xf32>
      %swap3A_39 = arith.constant 0 : index
      %swap3A_40 = arith.constant 0 : index
      %swap3A_41 = vector.load %arg5[%swap3A_39, %swap3A_40] : memref<1024x128xf32, #tpu.memory_space<vmem>>, vector<1024x128xf32>
      tpu.vector_store %arg5[%swap3A_39, %swap3A_40], %concatenate3A {strides = array<i32>} : memref<1024x128xf32, #tpu.memory_space<vmem>>, vector<1024x128xf32>,
    } else {
    }
    return
  }
  func.func @transform_0(%arg0: i32) -> (i32, i32, i32) {
    %c0_i32 = arith.constant 0 : i32
    %c0_i32_0 = arith.constant 0 : i32
    %c0_i32_1 = arith.constant 0 : i32
    return %c0_i32, %arg0, %c0_i32_0 : i32, i32, i32
  }
  func.func @transform_1(%arg0: i32) -> (i32, i32) {
    %c0_i32 = arith.constant 0 : i32
    %c0_i32_0 = arith.constant 0 : i32
    %c0_i32_1 = arith.constant 0 : i32
    return %c0_i32, %c0_i32_0 : i32, i32
  }
  func.func @transform_2(%arg0: i32) -> (i32, i32) {
    %c0_i32 = arith.constant 0 : i32
    %c0_i32_0 = arith.constant 0 : i32
    %c0_i32_1 = arith.constant 0 : i32
    return %c0_i32, %c0_i32_0 : i32, i32
  }
  func.func @transform_3(%arg0: i32) -> (i32, i32, i32) {
    %c0_i32 = arith.constant 0 : i32
    %c0_i32_0 = arith.constant 0 : i32
    %c0_i32_1 = arith.constant 0 : i32
    %c0_i32_2 = arith.constant 0 : i32
    return %c0_i32, %c0_i32_0, %c0_i32_1 : i32, i32, i32
  }
  func.func @transform_4(%arg0: i32) -> (i32, i32) {
    %c0_i32 = arith.constant 0 : i32
    %c0_i32_0 = arith.constant 0 : i32
    %c0_i32_1 = arith.constant 0 : i32
    return %c0_i32, %c0_i32_0 : i32, i32
  }
}

</mosaic_0001>

<sc_bundles>
// kernel: kernel.4.cloned.1.call-start
scs
__scs_entry_jumppad:
0x0: {  	(pc) =	sbr.rel $0x88, $3  }
0x1: {  	(tag) =	ssettag $0x0;
	lr =	simm.s32 $0x1  }
0x2: {  	[smem:$0x3F9B] =	sst lr;
	_ =	strace $0xD0000000  }
0x3: {  	_ = 	snop  }
0x4: {  	_ = 	snop  }
0x5: {  	_ = 	snop  }
0x6: {  	_ = 	snop  }
0x7: {  	_ = 	snop  }
__scs_overlays_trampoline_lowered:
0x8: {  	[smem:$0x3FAA] =	sst s0  }
0x9: {  	[smem:$0x3FAB] =	sst s1  }
0xa: {  	[smem:$0x3FAC] =	sst s2  }
0xb: {  	[smem:$0x3FAD] =	sst s3  }
0xc: {  	[smem:$0x3FAE] =	sst s4  }
0xd: {  	[smem:$0x3FAF] =	sst s5  }
0xe: {  	[smem:$0x3FB0] =	sst s6  }
0xf: {  	[smem:$0x3FB1] =	sst s7  }
0x10: {  	[smem:$0x3FB2] =	sst s8  }
0x11: {  	[smem:$0x3FB3] =	sst s9;
	s0 =	simm.s32 @!p0 $0x0  }
0x12: {  	s1 =	sld [smem:$0x3F99];
	s0 =	simm.s32 @p0 $0x1  }
0x13: {  	[smem:$0x3FB4] =	sst s0;
	s0 =	simm.s32 @!p1 $0x0  }
0x14: {  	s2 =	sld [smem:$0x3F98];
	s0 =	simm.s32 @p1 $0x1  }
0x15: {  	[smem:$0x3FB5] =	sst s0;
	s0 =	simm.s32 @!p2 $0x0  }
0x16: {  	s3 =	sld [smem:$0x3FDB];
	s0 =	simm.s32 @p2 $0x1  }
0x17: {  	s4 =	simm.s32 $0x1BF5;
	[smem:$0x3FB7] =	sst s0  }
0x18: {  	s0 =	sld [smem:$0x3F9A];
	_ =	swait.ge [sflag:s4], $0x0  }
0x19: {  	s7 =	sld [smem:$0x3F9B]  }
0x1a: {  	s8 =	sadd.s32 $0xFFFFE003, lr  }
0x1b: {  	s9 =	sadd.s32 $0xFFFFFEF7, lr;
	s5 =	simm.s32 $0xFFFFFFFF;
	p2 =	slt.u32 s8, $0xFFFFF086  }
0x1c: {  	p1 =	slt.u32 s9, $0xF7A;
	s5 =	simm.s32 @!p2 $0x0  }
0x1d: {  	s5 =	simm.s32 @p1 $0x1;
	p0 =	seq.s32 s7, s2  }
0x1e: {  	s7 =	smul.u32 @!p0 $0xF7A, s2;
	p2 =	seq.s32 @!p0 s5, $0x0  }
0x1f: {  	s9 =	smul.u32 $0xF7A, s1;
	s8 =	simm.s32 @!p0 $0x1BF5;
	p2 =	por !p2, p0  }
0x20: {  	[sflag:s8] =	ssyncset.s32 @!p0 $0xFFFFF086;
	s6 =	sadd.s32 @!p0 s3, s7;
	s7 =	simm.s32 @!p0 $0x108  }
0x21: {  	s3 =	sadd.s32 s3, s9;
	s6 =	sadd.s32 @!p0 $0x88, s6;
	s7 =	simm.s32 @p2 $0x1082  }
0x22: {  	[simem:s7], [sflag:s8] =	dma.local @!p0 [hbm:s6], $0xF7A  }
0x23: {  	s9 =	sor.u32 $0xD0000000, s2;
	s6 =	simm.s32 $0x108;
	_ =	swait.ge @!p0 [sflag:s8], $0x0  }
0x24: {  	s3 =	sadd.s32 $0x88, s3;
	s6 =	simm.s32 @!p1 $0x1082;
	[sflag:s4] =	ssyncset.s32 $0xFFFFF086  }
0x25: {  	[simem:s6], [sflag:s4] =	dma.local [hbm:s3], $0xF7A  }
0x26: {  	[smem:$0x3F9B] =	sst s1;
	(tag) =	ssettag s2;
	_ =	strace s9  }
0x27: {  	s1 =	sld [smem:$0x3FAB]  }
0x28: {  	s2 =	sld [smem:$0x3FAC]  }
0x29: {  	s4 =	sld [smem:$0x3FAE]  }
0x2a: {  	p0 =	seq.s32 s5, $0x0;
	s5 =	sld [smem:$0x3FAF]  }
0x2b: {  	s6 =	sld [smem:$0x3FB0]  }
0x2c: {  	s7 =	sld [smem:$0x3FB1]  }
0x2d: {  	s3 =	simm.s32 $0x108;
	s8 =	sld [smem:$0x3FB2]  }
0x2e: {  	s3 =	simm.s32 @!p0 $0x1082;
	s9 =	sld [smem:$0x3FB3]  }
0x2f: {  	lr =	sadd.s32 s0, s3;
	s0 =	sld [smem:$0x3FAA]  }
0x30: {  	s3 =	sld [smem:$0x3FAD]  }
0x31: {  	[smem:$0x3FB6] =	sst s10  }
0x32: {  	s10 =	sld [smem:$0x3FB4];
	_ =	sdelay $0x3  }
0x33: {  	p0 =	seq.s32 s10, $0x1;
	s10 =	sld [smem:$0x3FB6];
	_ =	sdelay $0x3  }
0x34: {  	[smem:$0x3FB6] =	sst s10  }
0x35: {  	s10 =	sld [smem:$0x3FB5];
	_ =	sdelay $0x3  }
0x36: {  	p1 =	seq.s32 s10, $0x1;
	s10 =	sld [smem:$0x3FB6];
	_ =	sdelay $0x3  }
0x37: {  	[smem:$0x3FB6] =	sst s10  }
0x38: {  	s10 =	sld [smem:$0x3FB7]  }
0x39: {  	_ = 	snop;
	(pc) =	sbr.ind lr, $3  }
0x3a: {  	_ = 	snop  }
0x3b: {  	_ = 	snop  }
0x3c: {  	p2 =	seq.s32 s10, $0x1;
	s10 =	sld [smem:$0x3FB6]  }
0x3d: {  	_ =	shalt  }
0x3e: {  	_ =	shalt  }
0x3f: {  	_ =	shalt  }
0x40: {  	_ =	shalt  }
0x41: {  	_ =	shalt  }
0x42: {  	_ =	shalt  }
0x43: {  	_ =	shalt  }
0x44: {  	_ =	shalt  }
0x45: {  	_ =	shalt  }
0x46: {  	_ =	shalt  }
0x47: {  	_ =	shalt  }
0x48: {  	_ =	shalt  }
0x49: {  	_ =	shalt  }
0x4a: {  	_ =	shalt  }
0x4b: {  	_ =	shalt  }
0x4c: {  	_ =	shalt  }
0x4d: {  	_ =	shalt  }
0x4e: {  	_ =	shalt  }
0x4f: {  	_ =	shalt  }
0x50: {  	_ =	shalt  }
0x51: {  	_ =	shalt  }
0x52: {  	_ =	shalt  }
0x53: {  	_ =	shalt  }
0x54: {  	_ =	shalt  }
0x55: {  	_ =	shalt  }
0x56: {  	_ =	shalt  }
0x57: {  	_ =	shalt  }
0x58: {  	_ =	shalt  }
0x59: {  	_ =	shalt  }
0x5a: {  	_ =	shalt  }
0x5b: {  	_ =	shalt  }
0x5c: {  	_ =	shalt  }
0x5d: {  	_ =	shalt  }
0x5e: {  	_ =	shalt  }
0x5f: {  	_ =	shalt  }
0x60: {  	_ =	shalt  }
0x61: {  	_ =	shalt  }
0x62: {  	_ =	shalt  }
0x63: {  	_ =	shalt  }
0x64: {  	_ =	shalt  }
0x65: {  	_ =	shalt  }
0x66: {  	_ =	shalt  }
0x67: {  	_ =	shalt  }
0x68: {  	_ =	shalt  }
0x69: {  	_ =	shalt  }
0x6a: {  	_ =	shalt  }
0x6b: {  	_ =	shalt  }
0x6c: {  	_ =	shalt  }
0x6d: {  	_ =	shalt  }
0x6e: {  	_ =	shalt  }
0x6f: {  	_ =	shalt  }
0x70: {  	_ =	shalt  }
0x71: {  	_ =	shalt  }
0x72: {  	_ =	shalt  }
0x73: {  	_ =	shalt  }
0x74: {  	_ =	shalt  }
0x75: {  	_ =	shalt  }
0x76: {  	_ =	shalt  }
0x77: {  	_ =	shalt  }
0x78: {  	_ =	shalt  }
0x79: {  	_ =	shalt  }
0x7a: {  	_ =	shalt  }
0x7b: {  	_ =	shalt  }
0x7c: {  	_ =	shalt  }
0x7d: {  	_ =	shalt  }
0x7e: {  	_ =	shalt  }
0x7f: {  	_ =	shalt  }
0x80: {  	_ =	shalt  }
0x81: {  	_ =	shalt  }
0x82: {  	_ =	shalt  }
0x83: {  	_ =	shalt  }
0x84: {  	_ =	shalt  }
0x85: {  	_ =	shalt  }
0x86: {  	_ =	shalt  }
0x87: {  	_ =	shalt  }
.Lfunc_end0:
.L_simem_size_0:
called_computation_lowered:
.L_overlay_start_0:
0x88: {  	s2 =	sld [smem:$0x3FD9]  }
0x89: {  	s3 =	sld [smem:$0x3FFE];
	_ =	sdelay $0x1  }
0x8a: {  	s1 =	srdreg.scid  }
0x8b: {  	s0 =	sand.u32 $0x1, s1  }
0x8c: {  	s17 =	sshll.u32 s0, $0xA;
	s2 =	sadd.s32 s3, s2  }
0x8d: {  	s2 =	sadd.s32 s2, s17  }
0x8e: {  	[smem:$0x3FC2] =	sst s2  }
0x8f: {  	_ = 	snop  }
0x90: {  	s2 =	sld [smem:$0x3FC8]  }
0x91: {  	s18 =	sld [smem:$0x3FD0];
	(tm) =	ssettm $0x1  }
0x92: {  	s4 =	sld [smem:$0x3FFB];
	_ =	sdelay $0x3  }
0x93: {  	_ =	strace s4  }
0x94: {  	s4 =	sld [smem:$0x3FFC];
	_ =	sdelay $0x3  }
0x95: {  	_ =	strace s4  }
0x96: {  	s4 =	sld [smem:$0x3FFD];
	_ =	sdelay $0x3  }
0x97: {  	_ =	strace s4  }
0x98: {  	_ =	strace $0x8FFFFFFF  }
0x99: {  	s19 =	sld [smem:$0x3FDB];
	_ =	sdelay $0x1  }
0x9a: {  	s5 =	simm.s32 $_scs_section_size  }
0x9b: {  	s6 =	simm.s32 $_size__tile_overlayer_lowered;
	s7 =	simm.s32 $_tile_overlayer_lowered  }
0x9c: {  	s22 =	simm.s32 $0x1BFF;
	s21 =	sshll.u32 s7, $0x1;
	s4 =	sadd.s32 s5, s19  }
0x9d: {  	s8 =	simm.s32 $0x0;
	s20 =	sshll.u32 s6, $0x1;
	s6 =	sadd.s32 s21, s4  }
0x9e: {  	[timem:s8], [sflag:s22] =	dma.local [hbm:s6], s20  }
0x9f: {  	_ =	swait.ge [sflag:s22], s20  }
0xa0: {  	s5 =	ssub.s32 $0x0, s20;
	[sflag:s22] =	ssyncset.done $0x0  }
0xa1: {  	[sflag:s22] =	ssyncadd.s32 s5;
	_ =	sdelay $0x1  }
0xa2: {  	s23 =	simm.s32 $0x1B8B  }
0xa3: {  	_ =	swait.ge [sflag:s23], $0x1  }
0xa4: {  	[sflag:s23] =	ssyncset.done $0x0  }
0xa5: {  	s25 =	simm.s32 $0x1B8E;
	s24 =	sld [smem:$0x3FFE];
	[sflag:s23] =	ssyncadd.s32 $0xFFFFFFFF  }
0xa6: {  	s26 =	simm.s32 $execute0_lowered;
	[smem:$0x3FD2] =	sst s25  }
0xa7: {  	s6 =	sshll.u32 s26, $0x1;
	_ =	strace $0x80000046;
	[dreg:$0x1] =	wrdreg $0xFFFFFFFF  }
0xa8: {  	s28 =	simm.s32 $_size_execute0_lowered;
	s4 =	sadd.s32 s4, s6;
	[dreg:$0x0] =	wrdreg $0x0  }
0xa9: {  	s6 =	sshll.u32 s28, $0x1;
	[dreg:$0x2] =	wrdreg s4  }
0xaa: {  	[dreg:$0x3] =	wrdreg s6  }
0xab: {  	[dreg:$0x4] =	wrdreg $0xC0  }
0xac: {  	_ =	task [dreg:s8], $0x5FFFF  }
0xad: {  	[dreg:$0x1] =	wrdreg $0xFFFFFFFF  }
0xae: {  	[dreg:$0x0] =	wrdreg $0x60  }
0xaf: {  	[dreg:$0x2] =	wrdreg s24  }
0xb0: {  	[dreg:$0x3] =	wrdreg s2  }
0xb1: {  	[dreg:$0x4] =	wrdreg s18  }
0xb2: {  	[dreg:$0x5] =	wrdreg $0x9  }
0xb3: {  	_ =	task.clear_ibuf [dreg:s8], $0x6FFFF;
	_ =	strace $0x90000046  }
0xb4: {  	s29 =	simm.s32 $0x9;
	_ =	strace $0x80000048  }
0xb5: {  	_ =	swait.ge [sflag:s29], $0x1  }
0xb6: {  	[sflag:s29] =	ssyncadd.s32 $0xFFFFFFFF  }
0xb7: {  	_ =	strace $0x90000048  }
0xb8: {  	_ =	sfence  }
0xb9: {  	s30 =	sld [smem:$0x0];
	_ =	sdelay $0x2  }
0xba: {  	s31 =	sshll.u32 s1, $0xD;
	s1 =	sshrl.u32 s1, $0x2  }
0xbb: {  	s3 =	sand.u32 $0x4000, s31;
	s1 =	sadd.s32 s1, s30  }
0xbc: {  	s0 =	sor.u32 s3, s0;
	s1 =	sshll.u32 s1, $0x11  }
0xbd: {  	s0 =	sor.u32 s1, s0  }
0xbe: {  	s0 =	sadd.s32 $0x8F2B, s0  }
0xbf: {  	[sflag:s0] =	ssyncadd.remote.s32 $0x1  }
0xc0: {  	_ =	sfence.sel $0xFFFF  }
0xc1: {  	[dreg:$0x0] =	wrdreg $0xFFFFFFFF;
	(pc) =	sbr.abs _section_cstart, $3  }
0xc2: {  	[dreg:$0x1] =	wrdreg $0xFFFFFFFF  }
0xc3: {  	_ =	task.clear_ibuf [dreg:s8], $0x2FFFF;
	_ =	strace $0x9FFFFFFF  }
0xc4: {  	(tm) =	ssettm $0x7FFFFFFF  }
0xc5: {  	_ =	shalt  }
tec
execute0_lowered:
.L_overlay_start_1:
0x0: {  	(tag) =	ssettag $0x1  }
0x1: {  	s6 =	rddreg [dreg:$0x0]  }
0x2: {  	s4 =	rddreg [dreg:$0x1];
	s0 =	stileid.u32  }
0x3: {  	s11 =	rddreg [dreg:$0x2];
	s12 =	sshrl.u32 s0, $0x1  }
0x4: {  	s1 =	rddreg [dreg:$0x3];
	s2 =	simm.s32 $0x0;
	s3 =	sshll.u32 s12, $0xB  }
0x5: {  	[smem:$0x7FF] =	sst s2;
	s3 =	sadd.s32 s3, s6  }
0x6: {  	_ =	strace $0x80000047;
	s5 =	sshll.u32 s12, $0x4;
	s3 =	sadd.s32 $0xE00, s3  }
0x7: {  	[tilespmem:s2], [sflag:$0x1] =	stream.linear.gather [hbm4b:s3+s2], $0x4000, $0x38;
	[tilespmem:$0x4140] =	vst v63  }
0x8: {  	s4 =	sadd.s32 s4, s5;
	s5 =	simm.s32 $0x4000  }
0x9: {  	[tilespmem:s5], [sflag:$0x2] =	stream.linear.gather [hbm4b:s4+s2], $0x80, $0x38;
	[tilespmem:$0x4140] =	vst v63  }
0xa: {  	s7 =	simm.s32 $0x4080;
	s8 =	simm.s32 $0x1;
	s6 =	sadd.s32 $0xC00, s6  }
0xb: {  	[tilespmem:s7], [sflag:$0x3] =	stream.linear.gather [hbm4b:s6+s2], $0x40, $0x38;
	[tilespmem:$0x4140] =	vst v63  }
0xc: {  	_ =	swait.ge [sflag:s8], $0x4000  }
0xd: {  	[sflag:s8] =	ssyncset.done $0x0  }
0xe: {  	s9 =	simm.s32 $0x2;
	[sflag:s8] =	ssyncadd.s32 $0xFFFFC000  }
0xf: {  	_ =	swait.ge [sflag:s9], $0x80  }
0x10: {  	[sflag:s9] =	ssyncset.done $0x0  }
0x11: {  	s10 =	simm.s32 $0x3;
	[sflag:s9] =	ssyncadd.s32 $0xFFFFFF80  }
0x12: {  	_ =	swait.ge [sflag:s10], $0x40  }
0x13: {  	[sflag:s10] =	ssyncset.done $0x0  }
0x14: {  	[sflag:s10] =	ssyncadd.s32 $0xFFFFFFC0  }
0x15: {  	v1 =	vld [tilespmem:$0x4000];
	_ =	sdelay $0x2  }
0x16: {  	v0 =	vlaneseq.u32  }
0x17: {  	s13 =	srdreg.scid;
	s15 =	sshll.u32 s0, $0x1;
	v0 =	vmul.u32 $0x80, v0  }
0x18: {  	s14 =	sand.u32 $0x1, s13;
	s30 =	sand.u32 $0x2, s15;
	v2 =	vshll.u32 v1, $0x2  }
0x19: {  	s13 =	sor.u32 s14, s30;
	v3 =	vadd.s32 v0, v2  }
0x1a: {  	v1 =	vmov s13;
	v4 =	vand.u32 $0x4, v2;
	v3 =	vand.u32 $0xFFFFFFF8, v3  }
0x1b: {  	v5 =	vld [tilespmem:$0x4010];
	v6 =	vor.u32 v1, v2;
	v2 =	vor.u32 v3, v4  }
0x1c: {  	v3 =	vor.u32 v1, v2;
	_ =	sdelay $0x3  }
0x1d: {  	v4 =	vshll.u32 v5, $0x2;
	v2 =	vor.u32 $0x800, v0;
	v5 =	vld.idx.msk [tilespmem:v6+s7+$0x0], $0xffff  }
0x1e: {  	v6 =	vadd.s32 v2, v4;
	v3 =	vld.idx.msk [tilespmem:v3+s2+$0x0], $0xffff  }
0x1f: {  	v7 =	vand.u32 $0x4, v4;
	v6 =	vand.u32 $0xFFFFFFF8, v6  }
0x20: {  	v6 =	vor.u32 v6, v7  }
0x21: {  	v7 =	vld [tilespmem:$0x4020];
	v6 =	vor.u32 v1, v6  }
0x22: {  	v4 =	vor.u32 v1, v4  }
0x23: {  	v3 =	vadd.f32 v5, v3;
	_ =	sdelay $0x1  }
0x24: {  	[tilespmem:$0x40C0] =	vst v3  }
0x25: {  	v5 =	vshll.u32 v7, $0x2;
	v3 =	vor.u32 $0x1000, v0;
	v6 =	vld.idx.msk [tilespmem:v6+s2+$0x0], $0xffff  }
0x26: {  	v7 =	vadd.s32 v3, v5;
	v4 =	vld.idx.msk [tilespmem:v4+s7+$0x0], $0xffff  }
0x27: {  	v8 =	vand.u32 $0x4, v5;
	v7 =	vand.u32 $0xFFFFFFF8, v7  }
0x28: {  	v7 =	vor.u32 v7, v8  }
0x29: {  	v8 =	vld [tilespmem:$0x4030];
	v7 =	vor.u32 v1, v7  }
0x2a: {  	v5 =	vor.u32 v1, v5  }
0x2b: {  	v4 =	vadd.f32 v4, v6;
	_ =	sdelay $0x1  }
0x2c: {  	[tilespmem:$0x40D0] =	vst v4  }
0x2d: {  	v4 =	vor.u32 $0x1800, v0;
	v6 =	vshll.u32 v8, $0x2;
	v7 =	vld.idx.msk [tilespmem:v7+s2+$0x0], $0xffff  }
0x2e: {  	v8 =	vadd.s32 v4, v6;
	v5 =	vld.idx.msk [tilespmem:v5+s7+$0x0], $0xffff  }
0x2f: {  	v9 =	vand.u32 $0x4, v6;
	v8 =	vand.u32 $0xFFFFFFF8, v8  }
0x30: {  	v8 =	vor.u32 v8, v9  }
0x31: {  	v9 =	vld [tilespmem:$0x4040];
	v8 =	vor.u32 v1, v8  }
0x32: {  	v6 =	vor.u32 v1, v6  }
0x33: {  	v5 =	vadd.f32 v5, v7;
	_ =	sdelay $0x1  }
0x34: {  	[tilespmem:$0x40E0] =	vst v5  }
0x35: {  	v5 =	vor.u32 $0x2000, v0;
	v7 =	vshll.u32 v9, $0x2;
	v8 =	vld.idx.msk [tilespmem:v8+s2+$0x0], $0xffff  }
0x36: {  	v9 =	vadd.s32 v5, v7;
	v6 =	vld.idx.msk [tilespmem:v6+s7+$0x0], $0xffff  }
0x37: {  	v10 =	vand.u32 $0x4, v7;
	v9 =	vand.u32 $0xFFFFFFF8, v9  }
0x38: {  	v9 =	vor.u32 v9, v10  }
0x39: {  	v10 =	vld [tilespmem:$0x4050];
	v9 =	vor.u32 v1, v9  }
0x3a: {  	v7 =	vor.u32 v1, v7  }
0x3b: {  	v6 =	vadd.f32 v6, v8;
	_ =	sdelay $0x1  }
0x3c: {  	[tilespmem:$0x40F0] =	vst v6  }
0x3d: {  	v6 =	vor.u32 $0x2800, v0;
	v8 =	vshll.u32 v10, $0x2;
	v9 =	vld.idx.msk [tilespmem:v9+s2+$0x0], $0xffff  }
0x3e: {  	v10 =	vadd.s32 v6, v8;
	v7 =	vld.idx.msk [tilespmem:v7+s7+$0x0], $0xffff  }
0x3f: {  	v11 =	vand.u32 $0x4, v8;
	v10 =	vand.u32 $0xFFFFFFF8, v10  }
0x40: {  	v10 =	vor.u32 v10, v11  }
0x41: {  	v11 =	vld [tilespmem:$0x4060];
	v10 =	vor.u32 v1, v10  }
0x42: {  	v8 =	vor.u32 v1, v8  }
0x43: {  	v7 =	vadd.f32 v7, v9;
	_ =	sdelay $0x1  }
0x44: {  	[tilespmem:$0x4100] =	vst v7  }
0x45: {  	v7 =	vor.u32 $0x3000, v0;
	v9 =	vshll.u32 v11, $0x2;
	v10 =	vld.idx.msk [tilespmem:v10+s2+$0x0], $0xffff  }
0x46: {  	v11 =	vadd.s32 v7, v9;
	v8 =	vld.idx.msk [tilespmem:v8+s7+$0x0], $0xffff  }
0x47: {  	v12 =	vand.u32 $0x4, v9;
	v11 =	vand.u32 $0xFFFFFFF8, v11  }
0x48: {  	v11 =	vor.u32 v11, v12  }
0x49: {  	v63 =	vld [tilespmem:$0x4070];
	v11 =	vor.u32 v1, v11  }
0x4a: {  	v9 =	vor.u32 v1, v9  }
0x4b: {  	v8 =	vadd.f32 v8, v10;
	_ =	sdelay $0x1  }
0x4c: {  	[tilespmem:$0x4110] =	vst v8  }
0x4d: {  	v10 =	vshll.u32 v63, $0x2;
	v8 =	vor.u32 $0x3800, v0;
	v11 =	vld.idx.msk [tilespmem:v11+s2+$0x0], $0xffff  }
0x4e: {  	s14 =	ssub.s32 $0x2, s14;
	v12 =	vadd.s32 v8, v10;
	v9 =	vld.idx.msk [tilespmem:v9+s7+$0x0], $0xffff  }
0x4f: {  	s31 =	sshrl.u32 s14, $0x1;
	v13 =	vand.u32 $0x4, v10;
	v12 =	vand.u32 $0xFFFFFFF8, v12  }
0x50: {  	s14 =	ssub.s32 s14, s31;
	v12 =	vor.u32 v12, v13  }
0x51: {  	s14 =	smax.u32 s14, $0x1;
	v12 =	vor.u32 v1, v12  }
0x52: {  	p0 =	sne.s32 s14, $0x1;
	v10 =	vor.u32 v1, v10  }
.Ltmp0:
0x53: {  	v9 =	vadd.f32 v9, v11;
	(pc) =	sbr.rel @!p0 .LBB2_2-.Ltmp0, $4  }
0x54: {  	_ = 	snop  }
0x55: {  	s12 =	sshll.u32 s12, $0x6;
	[tilespmem:$0x4120] =	vst v9  }
0x56: {  	s11 =	sadd.s32 s11, s12;
	s12 =	simm.s32 $0x4;
	s13 =	sshll.u32 s13, $0x4;
	v9 =	vld.idx.msk [tilespmem:v12+s2+$0x0], $0xffff  }
0x57: {  	s14 =	sadd.s32 $0xFFFFFFFF, s14;
	s11 =	sadd.s32 s13, s11;
	s13 =	simm.s32 $0x40C0;
	v10 =	vld.idx.msk [tilespmem:v10+s7+$0x0], $0xffff  }
.LBB2_1:
0x58: {  	_ =	sdelay $0x2  }
0x59: {  	p0 =	sne.s32 s14, $0x1;
	s14 =	sadd.s32 $0xFFFFFFFF, s14  }
0x5a: {  	v9 =	vadd.f32 v10, v9;
	_ =	sdelay $0x1  }
0x5b: {  	[tilespmem:$0x4130] =	vst v9  }
0x5c: {  	[hbm4b:s11+s2] =	stream.linear.scatter [tilespmem:s13], [sflag:$0x4], $0x80, $0x38;
	[tilespmem:$0x4140] =	vst v63  }
0x5d: {  	_ =	swait.ge [sflag:s12], $0x80  }
0x5e: {  	[sflag:s12] =	ssyncset.done $0x0  }
0x5f: {  	[sflag:s12] =	ssyncadd.s32 $0xFFFFFF80  }
0x60: {  	[tilespmem:s2], [sflag:$0x1] =	stream.linear.gather [hbm4b:s3+s2], $0x4000, $0x38;
	[tilespmem:$0x4140] =	vst v63  }
0x61: {  	_ = 	snop  }
0x62: {  	[tilespmem:s5], [sflag:$0x2] =	stream.linear.gather [hbm4b:s4+s2], $0x80, $0x38;
	[tilespmem:$0x4140] =	vst v63  }
0x63: {  	_ = 	snop  }
0x64: {  	[tilespmem:s7], [sflag:$0x3] =	stream.linear.gather [hbm4b:s6+s2], $0x40, $0x38;
	[tilespmem:$0x4140] =	vst v63  }
0x65: {  	_ =	swait.ge [sflag:s8], $0x4000  }
0x66: {  	[sflag:s8] =	ssyncset.done $0x0  }
0x67: {  	[sflag:s8] =	ssyncadd.s32 $0xFFFFC000  }
0x68: {  	_ =	swait.ge [sflag:s9], $0x80  }
0x69: {  	[sflag:s9] =	ssyncset.done $0x0  }
0x6a: {  	[sflag:s9] =	ssyncadd.s32 $0xFFFFFF80  }
0x6b: {  	_ =	swait.ge [sflag:s10], $0x40  }
0x6c: {  	[sflag:s10] =	ssyncset.done $0x0  }
0x6d: {  	[sflag:s10] =	ssyncadd.s32 $0xFFFFFFC0  }
0x6e: {  	v9 =	vld [tilespmem:$0x4000]  }
0x6f: {  	v10 =	vld [tilespmem:$0x4010]  }
0x70: {  	v11 =	vld [tilespmem:$0x4020]  }
0x71: {  	v12 =	vld [tilespmem:$0x4030]  }
0x72: {  	v13 =	vld [tilespmem:$0x4040]  }
0x73: {  	v9 =	vshll.u32 v9, $0x2;
	v14 =	vld [tilespmem:$0x4050]  }
0x74: {  	v15 =	vadd.s32 v0, v9;
	v16 =	vor.u32 v1, v9;
	v10 =	vshll.u32 v10, $0x2;
	v17 =	vld [tilespmem:$0x4060]  }
0x75: {  	v9 =	vand.u32 $0x4, v9;
	v15 =	vand.u32 $0xFFFFFFF8, v15;
	v18 =	vadd.s32 v2, v10;
	v19 =	vld [tilespmem:$0x4070]  }
0x76: {  	v9 =	vor.u32 v15, v9;
	v15 =	vand.u32 $0xFFFFFFF8, v18;
	v18 =	vand.u32 $0x4, v10  }
0x77: {  	v11 =	vshll.u32 v11, $0x2;
	v9 =	vor.u32 v1, v9;
	v15 =	vor.u32 v15, v18  }
0x78: {  	v12 =	vshll.u32 v12, $0x2;
	v18 =	vadd.s32 v3, v11;
	v13 =	vshll.u32 v13, $0x2  }
0x79: {  	v20 =	vand.u32 $0x4, v11;
	v21 =	vadd.s32 v4, v12;
	v18 =	vand.u32 $0xFFFFFFF8, v18  }
0x7a: {  	v18 =	vor.u32 v18, v20;
	v20 =	vand.u32 $0xFFFFFFF8, v21;
	v21 =	vand.u32 $0x4, v12  }
0x7b: {  	v14 =	vshll.u32 v14, $0x2;
	v20 =	vor.u32 v20, v21;
	v21 =	vadd.s32 v5, v13;
	v16 =	vld.idx.msk [tilespmem:v16+s7+$0x0], $0xffff  }
0x7c: {  	v22 =	vand.u32 $0x4, v13;
	v23 =	vadd.s32 v6, v14;
	v21 =	vand.u32 $0xFFFFFFF8, v21;
	v9 =	vld.idx.msk [tilespmem:v9+s2+$0x0], $0xffff  }
0x7d: {  	v21 =	vor.u32 v21, v22;
	v22 =	vand.u32 $0xFFFFFFF8, v23;
	v23 =	vand.u32 $0x4, v14  }
0x7e: {  	v17 =	vshll.u32 v17, $0x2;
	v19 =	vshll.u32 v19, $0x2;
	v22 =	vor.u32 v22, v23  }
0x7f: {  	v24 =	vand.u32 $0x4, v17;
	v25 =	vadd.s32 v8, v19;
	v23 =	vadd.s32 v7, v17  }
0x80: {  	v10 =	vor.u32 v1, v10;
	v15 =	vor.u32 v1, v15;
	v23 =	vand.u32 $0xFFFFFFF8, v23  }
0x81: {  	v23 =	vor.u32 v23, v24;
	v24 =	vand.u32 $0xFFFFFFF8, v25;
	v25 =	vand.u32 $0x4, v19  }
0x82: {  	v9 =	vadd.f32 v16, v9;
	v16 =	vor.u32 v24, v25;
	_ =	sdelay $0x1  }
0x83: {  	[tilespmem:$0x40C0] =	vst v9  }
0x84: {  	v9 =	vld.idx.msk [tilespmem:v15+s2+$0x0], $0xffff  }
0x85: {  	v10 =	vld.idx.msk [tilespmem:v10+s7+$0x0], $0xffff;
	_ =	sdelay $0x3  }
0x86: {  	v11 =	vor.u32 v1, v11;
	v15 =	vor.u32 v1, v18;
	_ =	sdelay $0x1  }
0x87: {  	v9 =	vadd.f32 v10, v9;
	_ =	sdelay $0x1  }
0x88: {  	[tilespmem:$0x40D0] =	vst v9  }
0x89: {  	v9 =	vld.idx.msk [tilespmem:v15+s2+$0x0], $0xffff  }
0x8a: {  	v10 =	vld.idx.msk [tilespmem:v11+s7+$0x0], $0xffff;
	_ =	sdelay $0x3  }
0x8b: {  	v12 =	vor.u32 v1, v12;
	v11 =	vor.u32 v1, v20;
	_ =	sdelay $0x1  }
0x8c: {  	v9 =	vadd.f32 v10, v9;
	_ =	sdelay $0x1  }
0x8d: {  	[tilespmem:$0x40E0] =	vst v9  }
0x8e: {  	v9 =	vld.idx.msk [tilespmem:v11+s2+$0x0], $0xffff  }
0x8f: {  	v10 =	vld.idx.msk [tilespmem:v12+s7+$0x0], $0xffff;
	_ =	sdelay $0x3  }
0x90: {  	v11 =	vor.u32 v1, v21;
	v12 =	vor.u32 v1, v13;
	_ =	sdelay $0x1  }
0x91: {  	v9 =	vadd.f32 v10, v9;
	_ =	sdelay $0x1  }
0x92: {  	[tilespmem:$0x40F0] =	vst v9  }
0x93: {  	v9 =	vld.idx.msk [tilespmem:v11+s2+$0x0], $0xffff  }
0x94: {  	v10 =	vld.idx.msk [tilespmem:v12+s7+$0x0], $0xffff;
	_ =	sdelay $0x3  }
0x95: {  	v11 =	vor.u32 v1, v22;
	v12 =	vor.u32 v1, v14;
	_ =	sdelay $0x1  }
0x96: {  	v9 =	vadd.f32 v10, v9;
	_ =	sdelay $0x1  }
0x97: {  	[tilespmem:$0x4100] =	vst v9  }
0x98: {  	v9 =	vld.idx.msk [tilespmem:v11+s2+$0x0], $0xffff  }
0x99: {  	v10 =	vld.idx.msk [tilespmem:v12+s7+$0x0], $0xffff;
	_ =	sdelay $0x3  }
0x9a: {  	v11 =	vor.u32 v1, v23;
	v12 =	vor.u32 v1, v17;
	_ =	sdelay $0x1  }
0x9b: {  	v9 =	vadd.f32 v10, v9;
	_ =	sdelay $0x1  }
0x9c: {  	[tilespmem:$0x4110] =	vst v9  }
0x9d: {  	v9 =	vld.idx.msk [tilespmem:v11+s2+$0x0], $0xffff  }
0x9e: {  	v10 =	vld.idx.msk [tilespmem:v12+s7+$0x0], $0xffff;
	_ =	sdelay $0x3  }
0x9f: {  	v11 =	vor.u32 v1, v16;
	v12 =	vor.u32 v1, v19;
	_ =	sdelay $0x1  }
.Ltmp1:
0xa0: {  	v9 =	vadd.f32 v10, v9;
	(pc) =	sbr.rel @p0 .LBB2_1-.Ltmp1, $4  }
0xa1: {  	_ = 	snop  }
0xa2: {  	[tilespmem:$0x4120] =	vst v9  }
0xa3: {  	v9 =	vld.idx.msk [tilespmem:v11+s2+$0x0], $0xffff  }
0xa4: {  	v10 =	vld.idx.msk [tilespmem:v12+s7+$0x0], $0xffff  }
.LBB2_2:
0xa5: {  	_ =	sdelay $0x3  }
0xa6: {  	v0 =	vadd.f32 v10, v9;
	_ =	sdelay $0x1  }
0xa7: {  	[tilespmem:$0x4130] =	vst v0  }
0xa8: {  	[hbm4b:s11+s2] =	stream.linear.scatter [tilespmem:s13], [sflag:$0x4], $0x80, $0x38;
	[tilespmem:$0x4140] =	vst v63  }
0xa9: {  	_ =	swait.ge [sflag:s12], $0x80  }
0xaa: {  	[sflag:s12] =	ssyncset.done $0x0  }
0xab: {  	[sflag:s12] =	ssyncadd.s32 $0xFFFFFF80  }
0xac: {  	_ =	sfence.sel $0x180000  }
0xad: {  	[bflag:$0x0] =	sbarrier.arrive $0xFFFF  }
0xae: {  	p0 =	sne.s32 s0, $0x0;
	_ =	strace $0x90000047  }
0xaf: {  	s0 =	sadd.s32 @!p0 $0x100000, s1;
	[bflag:$0x2] =	sbarrier.arrive $0xFFFF  }
0xb0: {  	[sflag:s0] =	ssyncadd.tile.s32 @!p0 $0x1;
	_ =	shalt  }
.Lfunc_end2:
_tile_overlayer_lowered:
.L_overlay_start_2:
0xb1: {  	(tag) =	ssettag $0x2  }
0xb2: {  	s0 =	rddreg [dreg:$0x0];
	s2 =	stileid.u32  }
0xb3: {  	s1 =	rddreg [dreg:$0x1];
	p0 =	sne.s32 s2, $0x0  }
0xb4: {  	s3 =	rddreg [dreg:$0x2];
	[bflag:$0x3] =	sbarrier.arrive $0xFFFF;
	s2 =	simm.s32 @!p0 $0x1C04  }
0xb5: {  	[timem:s3], [sflag:s2] =	dma.local @!p0 [hbm:s0], s1  }
0xb6: {  	s0 =	simm.s32 @!p0 $0x4  }
0xb7: {  	_ =	swait.ge @!p0 [sflag:s0], s1  }
0xb8: {  	s1 =	ssub.s32 @!p0 $0x0, s1;
	[sflag:s0] =	ssyncset.done @!p0 $0x0  }
0xb9: {  	[sflag:s0] =	ssyncadd.s32 @!p0 s1  }
0xba: {  	[bflag:$0x3] =	sbarrier.arrive $0xFFFF  }
0xbb: {  	_ =	shalt  }

</sc_bundles>
